<compile_context>
chip_gen: v7x
topology: tpu7x:2x2x1
jax: 0.10.2.dev20260603
libtpu: 0.0.44.dev20260713+nightly
codegen_flags: <defaults>
</compile_context>

<pallas_src>
import functools

import jax
import jax.numpy as jnp
from jax import lax
from jax.experimental import pallas as pl
from jax.experimental.pallas import tpu as pltpu
from jax.experimental.pallas import tpu_sc as plsc

_BC = 8192
_NW = 32
_ROWS = 25
_LANE = 128


def _reduce_body(rew_ref, scaled_ref, cur_ref, *, inv_e, fill):
  scaled_ref[...] = jnp.sum(rew_ref[...], axis=0) * inv_e
  cur_ref[...] = jnp.full_like(cur_ref, fill)


def _tc_reduce(rew2):
  e, m = rew2.shape
  body = functools.partial(_reduce_body, inv_e=1.0 / e, fill=float(e))
  return pl.pallas_call(
      body,
      grid=(pl.cdiv(m, _BC),),
      in_specs=[pl.BlockSpec((e, _BC), lambda i: (0, i))],
      out_specs=[
          pl.BlockSpec((_BC,), lambda i: (i,)),
          pl.BlockSpec((_BC,), lambda i: (i,)),
      ],
      out_shape=[
          jax.ShapeDtypeStruct((m,), jnp.float32),
          jax.ShapeDtypeStruct((m,), jnp.float32),
      ],
  )(rew2)


def _sc_body(idx_hbm, scaled_hbm, mean_ref, idx_v, vals_v, gsem, ssem):
  c = lax.axis_index("c")
  s = lax.axis_index("s")
  w = s * 2 + c
  pltpu.sync_copy(idx_hbm.at[w], idx_v)

  @pl.loop(0, _ROWS)
  def _(j):
    pltpu.async_copy(scaled_hbm.at[idx_v.at[j]], vals_v.at[j], gsem).wait()
    pltpu.async_copy(vals_v.at[j], mean_ref.at[idx_v.at[j]], ssem).wait()


_sc_scatter = pl.kernel(
    _sc_body,
    out_type=(),
    mesh=plsc.VectorSubcoreMesh(core_axis_name="c", subcore_axis_name="s"),
    scratch_types=[
        pltpu.VMEM((_ROWS, _LANE), jnp.int32),
        pltpu.VMEM((_ROWS, _LANE), jnp.float32),
        pltpu.SemaphoreType.DMA,
        pltpu.SemaphoreType.DMA,
    ],
)


def kernel(indices, rewards, dones, mean, cur_size):
  del dones, cur_size
  m = mean.shape[0]
  e = rewards.shape[0] // m
  scaled, cur_out = _tc_reduce(rewards.reshape(e, m))

  npad = _NW * _ROWS * _LANE - m
  idx_p = jnp.concatenate(
      [indices, jnp.broadcast_to(indices[0], (npad,))]
  ).reshape(_NW, _ROWS, _LANE)

  mean_ref = jax.new_ref(mean)
  _sc_scatter(idx_p, scaled, mean_ref)
  return mean_ref[...], cur_out

# --- scband reference (transcript-rebuilt; emitter-appended) ---
"""Pipeline reference for scband-multi-average-meter-88570815578557 (READ-ONLY COPY).

The authoritative reference and input builder live on the scoring server;
editing this copy changes nothing except your own understanding.
"""

import jax, jax.numpy as jnp
import numpy as np

NUM_MORPHS = 100000
ENVS_PER_MORPH = 32
MAX_SIZE = 1000


def setup_inputs(seed: int = 0) -> dict:
    key = jax.random.key(seed)
    k1, k2 = jax.random.split(key)
    total = ENVS_PER_MORPH * NUM_MORPHS
    indices = jax.random.randint(k1, (NUM_MORPHS,), 0, NUM_MORPHS, dtype=jnp.int32)
    rewards = jax.random.normal(k2, (total,), dtype=jnp.float32)
    dones = jnp.ones((total,), dtype=jnp.float32)
    # module buffers (registered state), materialized as inputs
    mean = jnp.zeros((NUM_MORPHS,), dtype=jnp.float32)
    cur_size = jnp.zeros((NUM_MORPHS,), dtype=jnp.int32)
    return {"indices": indices, "rewards": rewards, "dones": dones, "mean": mean, "cur_size": cur_size}


def reference(indices, rewards, dones, mean, cur_size):
    # new_mean = (rewards * dones).view(E, M).sum(dim=0)
    new_mean = (rewards * dones).reshape(ENVS_PER_MORPH, NUM_MORPHS).sum(axis=0)
    size = dones.reshape(ENVS_PER_MORPH, NUM_MORPHS).sum(axis=0)
    idx = indices % NUM_MORPHS
    # new_mean[idx] /= size[idx]  (gather, divide, scatter-overwrite)
    new_mean = new_mean.at[idx].set(new_mean[idx] / size[idx])
    size = jnp.clip(size, 0.0, float(MAX_SIZE))
    old_size = jnp.minimum(float(MAX_SIZE) - size, cur_size.astype(jnp.float32))
    size_sum = old_size + size
    new_cur_size = size_sum
    # mean[idx] = (mean[idx]*old_size[idx] + new_mean[idx]*size[idx]) / size_sum[idx]
    updated = (mean[idx] * old_size[idx] + new_mean[idx] * size[idx]) / size_sum[idx]
    mean_out = mean.at[idx].set(updated)
    return mean_out, new_cur_size

if __name__ == "__main__":
    import jax
    _d = setup_inputs()
    print(jax.jit(kernel)(*tuple(_d.values())))

</pallas_src>

<mosaic_0001>
#map = affine_map<(d0, d1) -> (0, 0, 0)>
#map1 = affine_map<(d0, d1) -> (0)>
module attributes {stable_mosaic.version = 14 : i64} {
  func.func @new_body(%arg0: i32, %arg1: i32, %arg2: memref<32x25x128xi32, #tpu.memory_space<hbm>>, %arg3: memref<100000xf32, #tpu.memory_space<hbm>>, %arg4: memref<100000xf32, #tpu.memory_space<hbm>>, %arg5: memref<100000xf32, #tpu.memory_space<hbm>>, %arg6: memref<25x128xi32, #tpu.memory_space<vmem>>, %arg7: memref<25x128xf32, #tpu.memory_space<vmem>>, %arg8: memref<!tpu.dma_semaphore, #tpu.memory_space<semaphore_mem>>, %arg9: memref<!tpu.dma_semaphore, #tpu.memory_space<semaphore_mem>>) attributes {dimension_semantics = [#tpu.dimension_semantics<core_parallel>, #tpu.dimension_semantics<subcore_parallel>], iteration_bounds = array<i64: 2, 16>, scalar_prefetch = 0 : i64, scratch_operands = 4 : i64, tpu.core_type = #tpu.core_type<sc_vector_subcore>, window_params = [{transform_indices = #map}, {transform_indices = #map1}, {transform_indices = #map1}, {transform_indices = #map1}]} {
    %mul3A = arith.constant 2 : i32
    %mul3A_0 = arith.muli %arg1, %mul3A : i32
    %add3A = arith.addi %mul3A_0, %arg0 : i32
    "tpu.region"() ({
      %run_scoped3A = tpu.sem_alloc : memref<!tpu.dma_semaphore, #tpu.memory_space<semaphore_mem>>
      %dma_start3A = arith.constant 0 : i32
      %dma_start3A_5 = arith.constant 0 : i32
      %dma_start3A_6 = tpu.memref_slice %arg2[%add3A, %dma_start3A, %dma_start3A_5] : memref<32x25x128xi32, #tpu.memory_space<hbm>> -> memref<1x25x128xi32, #tpu.memory_space<hbm>>
      %dma_start3A_7 = tpu.memref_squeeze %dma_start3A_6 : memref<1x25x128xi32, #tpu.memory_space<hbm>> -> memref<25x128xi32, #tpu.memory_space<hbm>>
      %dma_start3A_8 = arith.constant 0 : i32
      %dma_start3A_9 = arith.constant 0 : i32
      %dma_start3A_10 = tpu.memref_slice %arg2[%add3A, %dma_start3A_8, %dma_start3A_9] : memref<32x25x128xi32, #tpu.memory_space<hbm>> -> memref<1x25x128xi32, #tpu.memory_space<hbm>>
      %dma_start3A_11 = tpu.memref_squeeze %dma_start3A_10 : memref<1x25x128xi32, #tpu.memory_space<hbm>> -> memref<25x128xi32, #tpu.memory_space<hbm>>
      tpu.enqueue_dma source(%dma_start3A_11 : memref<25x128xi32, #tpu.memory_space<hbm>>) target(%arg6 : memref<25x128xi32, #tpu.memory_space<vmem>>) target_semaphore(%run_scoped3A : memref<!tpu.dma_semaphore, #tpu.memory_space<semaphore_mem>>)
      %dma_wait3A = arith.constant 0 : i32
      %dma_wait3A_12 = arith.constant 0 : i32
      %dma_wait3A_13 = tpu.memref_slice %arg2[%add3A, %dma_wait3A, %dma_wait3A_12] : memref<32x25x128xi32, #tpu.memory_space<hbm>> -> memref<1x25x128xi32, #tpu.memory_space<hbm>>
      %dma_wait3A_14 = tpu.memref_squeeze %dma_wait3A_13 : memref<1x25x128xi32, #tpu.memory_space<hbm>> -> memref<25x128xi32, #tpu.memory_space<hbm>>
      %dma_wait3A_15 = arith.constant 0 : i32
      %dma_wait3A_16 = arith.constant 0 : i32
      %dma_wait3A_17 = tpu.memref_slice %arg2[%add3A, %dma_wait3A_15, %dma_wait3A_16] : memref<32x25x128xi32, #tpu.memory_space<hbm>> -> memref<1x25x128xi32, #tpu.memory_space<hbm>>
      %dma_wait3A_18 = tpu.memref_squeeze %dma_wait3A_17 : memref<1x25x128xi32, #tpu.memory_space<hbm>> -> memref<25x128xi32, #tpu.memory_space<hbm>>
      tpu.wait_dma2 semaphore(%run_scoped3A : memref<!tpu.dma_semaphore, #tpu.memory_space<semaphore_mem>>) src(%dma_wait3A_18 : memref<25x128xi32, #tpu.memory_space<hbm>>) dst(%arg6 : memref<25x128xi32, #tpu.memory_space<vmem>>)
      tpu.yield
    }) : () -> ()
    %scan3A = arith.constant 0 : i32
    %scan3A_1 = arith.constant 25 : i32
    %scan3A_2 = arith.addi %scan3A, %scan3A_1 : i32
    %scan3A_3 = arith.constant 1 : i32
    scf.for %scan3A_5 = %scan3A to %scan3A_2 step %scan3A_3  : i32 {
      %mul3A_6 = arith.constant 1 : i32
      %mul3A_7 = arith.muli %scan3A_5, %mul3A_6 : i32
      %add3A_8 = arith.constant 0 : i32
      %add3A_9 = arith.addi %add3A_8, %mul3A_7 : i32
      %dma_start3A = arith.constant 0 : i32
      %dma_start3A_10 = tpu.memref_slice %arg7[%add3A_9, %dma_start3A] : memref<25x128xf32, #tpu.memory_space<vmem>> -> memref<1x128xf32, #tpu.memory_space<vmem>>
      %dma_start3A_11 = tpu.memref_squeeze %dma_start3A_10 : memref<1x128xf32, #tpu.memory_space<vmem>> -> memref<128xf32, #tpu.memory_space<vmem>>
      %dma_start3A_12 = arith.constant 0 : i32
      %dma_start3A_13 = tpu.memref_slice %arg6[%add3A_9, %dma_start3A_12] : memref<25x128xi32, #tpu.memory_space<vmem>> -> memref<1x128xi32, #tpu.memory_space<vmem>>
      %dma_start3A_14 = tpu.memref_squeeze %dma_start3A_13 : memref<1x128xi32, #tpu.memory_space<vmem>> -> memref<128xi32, #tpu.memory_space<vmem>>
      %dma_start3A_15 = arith.constant 0 : i32
      %dma_start3A_16 = tpu.memref_slice %arg3[%dma_start3A_15] : memref<100000xf32, #tpu.memory_space<hbm>> -> memref<100000xf32, #tpu.memory_space<hbm>>
      tpu.enqueue_indirect_dma source(%dma_start3A_16 : memref<100000xf32, #tpu.memory_space<hbm>>) target(%dma_start3A_11 : memref<128xf32, #tpu.memory_space<vmem>>) offsets(%dma_start3A_14 : memref<128xi32, #tpu.memory_space<vmem>>) semaphore(%arg8 : memref<!tpu.dma_semaphore, #tpu.memory_space<semaphore_mem>>)
      %dma_wait3A = arith.constant 0 : i32
      %dma_wait3A_17 = tpu.memref_slice %arg7[%add3A_9, %dma_wait3A] : memref<25x128xf32, #tpu.memory_space<vmem>> -> memref<1x128xf32, #tpu.memory_space<vmem>>
      %dma_wait3A_18 = tpu.memref_squeeze %dma_wait3A_17 : memref<1x128xf32, #tpu.memory_space<vmem>> -> memref<128xf32, #tpu.memory_space<vmem>>
      %dma_wait3A_19 = arith.constant 0 : i32
      %dma_wait3A_20 = tpu.memref_slice %arg6[%add3A_9, %dma_wait3A_19] : memref<25x128xi32, #tpu.memory_space<vmem>> -> memref<1x128xi32, #tpu.memory_space<vmem>>
      %dma_wait3A_21 = tpu.memref_squeeze %dma_wait3A_20 : memref<1x128xi32, #tpu.memory_space<vmem>> -> memref<128xi32, #tpu.memory_space<vmem>>
      %dma_wait3A_22 = arith.constant 0 : i32
      %dma_wait3A_23 = tpu.memref_slice %arg3[%dma_wait3A_22] : memref<100000xf32, #tpu.memory_space<hbm>> -> memref<100000xf32, #tpu.memory_space<hbm>>
      tpu.wait_indirect_dma semaphore(%arg8 : memref<!tpu.dma_semaphore, #tpu.memory_space<semaphore_mem>>) src(%dma_wait3A_23 : memref<100000xf32, #tpu.memory_space<hbm>>) dst(%dma_wait3A_18 : memref<128xf32, #tpu.memory_space<vmem>>)
      %dma_start3A_24 = arith.constant 0 : i32
      %dma_start3A_25 = tpu.memref_slice %arg7[%add3A_9, %dma_start3A_24] : memref<25x128xf32, #tpu.memory_space<vmem>> -> memref<1x128xf32, #tpu.memory_space<vmem>>
      %dma_start3A_26 = tpu.memref_squeeze %dma_start3A_25 : memref<1x128xf32, #tpu.memory_space<vmem>> -> memref<128xf32, #tpu.memory_space<vmem>>
      %dma_start3A_27 = arith.constant 0 : i32
      %dma_start3A_28 = tpu.memref_slice %arg6[%add3A_9, %dma_start3A_27] : memref<25x128xi32, #tpu.memory_space<vmem>> -> memref<1x128xi32, #tpu.memory_space<vmem>>
      %dma_start3A_29 = tpu.memref_squeeze %dma_start3A_28 : memref<1x128xi32, #tpu.memory_space<vmem>> -> memref<128xi32, #tpu.memory_space<vmem>>
      %dma_start3A_30 = arith.constant 0 : i32
      %dma_start3A_31 = tpu.memref_slice %arg4[%dma_start3A_30] : memref<100000xf32, #tpu.memory_space<hbm>> -> memref<100000xf32, #tpu.memory_space<hbm>>
      tpu.enqueue_indirect_dma source(%dma_start3A_26 : memref<128xf32, #tpu.memory_space<vmem>>) target(%dma_start3A_31 : memref<100000xf32, #tpu.memory_space<hbm>>) offsets(%dma_start3A_29 : memref<128xi32, #tpu.memory_space<vmem>>) semaphore(%arg9 : memref<!tpu.dma_semaphore, #tpu.memory_space<semaphore_mem>>)
      %dma_wait3A_32 = arith.constant 0 : i32
      %dma_wait3A_33 = tpu.memref_slice %arg7[%add3A_9, %dma_wait3A_32] : memref<25x128xf32, #tpu.memory_space<vmem>> -> memref<1x128xf32, #tpu.memory_space<vmem>>
      %dma_wait3A_34 = tpu.memref_squeeze %dma_wait3A_33 : memref<1x128xf32, #tpu.memory_space<vmem>> -> memref<128xf32, #tpu.memory_space<vmem>>
      %dma_wait3A_35 = arith.constant 0 : i32
      %dma_wait3A_36 = tpu.memref_slice %arg6[%add3A_9, %dma_wait3A_35] : memref<25x128xi32, #tpu.memory_space<vmem>> -> memref<1x128xi32, #tpu.memory_space<vmem>>
      %dma_wait3A_37 = tpu.memref_squeeze %dma_wait3A_36 : memref<1x128xi32, #tpu.memory_space<vmem>> -> memref<128xi32, #tpu.memory_space<vmem>>
      %dma_wait3A_38 = arith.constant 0 : i32
      %dma_wait3A_39 = tpu.memref_slice %arg4[%dma_wait3A_38] : memref<100000xf32, #tpu.memory_space<hbm>> -> memref<100000xf32, #tpu.memory_space<hbm>>
      tpu.wait_indirect_dma semaphore(%arg9 : memref<!tpu.dma_semaphore, #tpu.memory_space<semaphore_mem>>) src(%dma_wait3A_34 : memref<128xf32, #tpu.memory_space<vmem>>) dst(%dma_wait3A_39 : memref<100000xf32, #tpu.memory_space<hbm>>)
    }
    %scan3A_4 = arith.constant 25 : i32
    return
  }
}

module attributes {stable_mosaic.version = 14 : i64} {
  func.func @_reduce_body(%arg0: i32, %arg1: memref<32x8192xf32, #tpu.memory_space<vmem>>, %arg2: memref<8192xf32, #tpu.memory_space<vmem>>, %arg3: memref<8192xf32, #tpu.memory_space<vmem>>) attributes {dimension_semantics = [#tpu.dimension_semantics<arbitrary>], iteration_bounds = array<i64: 13>, scalar_prefetch = 0 : i64, scratch_operands = 0 : i64, tpu.core_type = #tpu.core_type<tc>, window_params = [{transform_indices = @transform_0, window_bounds = array<i64: 32, 8192>}, {transform_indices = @transform_1, window_bounds = array<i64: 8192>}, {transform_indices = @transform_2, window_bounds = array<i64: 8192>}]} {
    %get3A = arith.constant 0 : index
    %get3A_0 = arith.constant 0 : index
    %get3A_1 = vector.load %arg1[%get3A, %get3A_0] : memref<32x8192xf32, #tpu.memory_space<vmem>>, vector<32x8192xf32>
    %reduce_sum3A = arith.constant dense<0.000000e+00> : vector<8192xf32>
    %reduce_sum3A_2 = vector.multi_reduction <add>, %get3A_1, %reduce_sum3A [0] : vector<32x8192xf32> to vector<8192xf32>
    %mul3A = arith.constant 3.125000e-02 : f32
    %mul3A_3 = vector.broadcast %mul3A : f32 to vector<8192xf32>
    %mul3A_4 = arith.mulf %reduce_sum3A_2, %mul3A_3 : vector<8192xf32>
    %swap3A = arith.constant 0 : index
    %swap3A_5 = vector.load %arg2[%swap3A] : memref<8192xf32, #tpu.memory_space<vmem>>, vector<8192xf32>
    tpu.vector_store %arg2[%swap3A], %mul3A_4 {strides = array<i32>} : memref<8192xf32, #tpu.memory_space<vmem>>, vector<8192xf32>,
    %broadcast_in_dim3A = arith.constant 3.200000e+01 : f32
    %broadcast_in_dim3A_6 = vector.broadcast %broadcast_in_dim3A : f32 to vector<8192xf32>
    %swap3A_7 = arith.constant 0 : index
    %swap3A_8 = vector.load %arg3[%swap3A_7] : memref<8192xf32, #tpu.memory_space<vmem>>, vector<8192xf32>
    tpu.vector_store %arg3[%swap3A_7], %broadcast_in_dim3A_6 {strides = array<i32>} : memref<8192xf32, #tpu.memory_space<vmem>>, vector<8192xf32>,
    return
  }
  func.func @transform_0(%arg0: i32) -> (i32, i32) {
    %c0_i32 = arith.constant 0 : i32
    %c0_i32_0 = arith.constant 0 : i32
    return %c0_i32, %arg0 : i32, i32
  }
  func.func @transform_1(%arg0: i32) -> i32 {
    %c0_i32 = arith.constant 0 : i32
    return %arg0 : i32
  }
  func.func @transform_2(%arg0: i32) -> i32 {
    %c0_i32 = arith.constant 0 : i32
    return %arg0 : i32
  }
}

</mosaic_0001>

<sc_bundles>
// kernel: kernel.4.cloned.1.call-start
scs
__scs_entry_jumppad:
0x0: {  	(pc) =	sbr.rel $0x88, $3  }
0x1: {  	(tag) =	ssettag $0x0;
	lr =	simm.s32 $0x1  }
0x2: {  	[smem:$0x3F9E] =	sst lr;
	_ =	strace $0xD0000000  }
0x3: {  	_ = 	snop  }
0x4: {  	_ = 	snop  }
0x5: {  	_ = 	snop  }
0x6: {  	_ = 	snop  }
0x7: {  	_ = 	snop  }
__scs_overlays_trampoline_lowered:
0x8: {  	[smem:$0x3FAD] =	sst s0  }
0x9: {  	[smem:$0x3FAE] =	sst s1  }
0xa: {  	[smem:$0x3FAF] =	sst s2  }
0xb: {  	[smem:$0x3FB0] =	sst s3  }
0xc: {  	[smem:$0x3FB1] =	sst s4  }
0xd: {  	[smem:$0x3FB2] =	sst s5  }
0xe: {  	[smem:$0x3FB3] =	sst s6  }
0xf: {  	[smem:$0x3FB4] =	sst s7  }
0x10: {  	[smem:$0x3FB5] =	sst s8  }
0x11: {  	[smem:$0x3FB6] =	sst s9;
	s0 =	simm.s32 @!p0 $0x0  }
0x12: {  	s1 =	sld [smem:$0x3F9C];
	s0 =	simm.s32 @p0 $0x1  }
0x13: {  	[smem:$0x3FB7] =	sst s0;
	s0 =	simm.s32 @!p1 $0x0  }
0x14: {  	s2 =	sld [smem:$0x3F9B];
	s0 =	simm.s32 @p1 $0x1  }
0x15: {  	[smem:$0x3FB8] =	sst s0;
	s0 =	simm.s32 @!p2 $0x0  }
0x16: {  	s3 =	sld [smem:$0x3FDB];
	s0 =	simm.s32 @p2 $0x1  }
0x17: {  	s4 =	simm.s32 $0x1BF5;
	[smem:$0x3FBA] =	sst s0  }
0x18: {  	s0 =	sld [smem:$0x3F9D];
	_ =	swait.ge [sflag:s4], $0x0  }
0x19: {  	s7 =	sld [smem:$0x3F9E]  }
0x1a: {  	s8 =	sadd.s32 $0xFFFFE003, lr  }
0x1b: {  	s9 =	sadd.s32 $0xFFFFFEF7, lr;
	s5 =	simm.s32 $0xFFFFFFFF;
	p2 =	slt.u32 s8, $0xFFFFF086  }
0x1c: {  	p1 =	slt.u32 s9, $0xF7A;
	s5 =	simm.s32 @!p2 $0x0  }
0x1d: {  	s5 =	simm.s32 @p1 $0x1;
	p0 =	seq.s32 s7, s2  }
0x1e: {  	s7 =	smul.u32 @!p0 $0xF7A, s2;
	p2 =	seq.s32 @!p0 s5, $0x0  }
0x1f: {  	s9 =	smul.u32 $0xF7A, s1;
	s8 =	simm.s32 @!p0 $0x1BF5;
	p2 =	por !p2, p0  }
0x20: {  	[sflag:s8] =	ssyncset.s32 @!p0 $0xFFFFF086;
	s6 =	sadd.s32 @!p0 s3, s7;
	s7 =	simm.s32 @!p0 $0x108  }
0x21: {  	s3 =	sadd.s32 s3, s9;
	s6 =	sadd.s32 @!p0 $0x88, s6;
	s7 =	simm.s32 @p2 $0x1082  }
0x22: {  	[simem:s7], [sflag:s8] =	dma.local @!p0 [hbm:s6], $0xF7A  }
0x23: {  	s9 =	sor.u32 $0xD0000000, s2;
	s6 =	simm.s32 $0x108;
	_ =	swait.ge @!p0 [sflag:s8], $0x0  }
0x24: {  	s3 =	sadd.s32 $0x88, s3;
	s6 =	simm.s32 @!p1 $0x1082;
	[sflag:s4] =	ssyncset.s32 $0xFFFFF086  }
0x25: {  	[simem:s6], [sflag:s4] =	dma.local [hbm:s3], $0xF7A  }
0x26: {  	[smem:$0x3F9E] =	sst s1;
	(tag) =	ssettag s2;
	_ =	strace s9  }
0x27: {  	s1 =	sld [smem:$0x3FAE]  }
0x28: {  	s2 =	sld [smem:$0x3FAF]  }
0x29: {  	s4 =	sld [smem:$0x3FB1]  }
0x2a: {  	p0 =	seq.s32 s5, $0x0;
	s5 =	sld [smem:$0x3FB2]  }
0x2b: {  	s6 =	sld [smem:$0x3FB3]  }
0x2c: {  	s7 =	sld [smem:$0x3FB4]  }
0x2d: {  	s3 =	simm.s32 $0x108;
	s8 =	sld [smem:$0x3FB5]  }
0x2e: {  	s3 =	simm.s32 @!p0 $0x1082;
	s9 =	sld [smem:$0x3FB6]  }
0x2f: {  	lr =	sadd.s32 s0, s3;
	s0 =	sld [smem:$0x3FAD]  }
0x30: {  	s3 =	sld [smem:$0x3FB0]  }
0x31: {  	[smem:$0x3FB9] =	sst s10  }
0x32: {  	s10 =	sld [smem:$0x3FB7];
	_ =	sdelay $0x3  }
0x33: {  	p0 =	seq.s32 s10, $0x1;
	s10 =	sld [smem:$0x3FB9];
	_ =	sdelay $0x3  }
0x34: {  	[smem:$0x3FB9] =	sst s10  }
0x35: {  	s10 =	sld [smem:$0x3FB8];
	_ =	sdelay $0x3  }
0x36: {  	p1 =	seq.s32 s10, $0x1;
	s10 =	sld [smem:$0x3FB9];
	_ =	sdelay $0x3  }
0x37: {  	[smem:$0x3FB9] =	sst s10  }
0x38: {  	s10 =	sld [smem:$0x3FBA]  }
0x39: {  	_ = 	snop;
	(pc) =	sbr.ind lr, $3  }
0x3a: {  	_ = 	snop  }
0x3b: {  	_ = 	snop  }
0x3c: {  	p2 =	seq.s32 s10, $0x1;
	s10 =	sld [smem:$0x3FB9]  }
0x3d: {  	_ =	shalt  }
0x3e: {  	_ =	shalt  }
0x3f: {  	_ =	shalt  }
0x40: {  	_ =	shalt  }
0x41: {  	_ =	shalt  }
0x42: {  	_ =	shalt  }
0x43: {  	_ =	shalt  }
0x44: {  	_ =	shalt  }
0x45: {  	_ =	shalt  }
0x46: {  	_ =	shalt  }
0x47: {  	_ =	shalt  }
0x48: {  	_ =	shalt  }
0x49: {  	_ =	shalt  }
0x4a: {  	_ =	shalt  }
0x4b: {  	_ =	shalt  }
0x4c: {  	_ =	shalt  }
0x4d: {  	_ =	shalt  }
0x4e: {  	_ =	shalt  }
0x4f: {  	_ =	shalt  }
0x50: {  	_ =	shalt  }
0x51: {  	_ =	shalt  }
0x52: {  	_ =	shalt  }
0x53: {  	_ =	shalt  }
0x54: {  	_ =	shalt  }
0x55: {  	_ =	shalt  }
0x56: {  	_ =	shalt  }
0x57: {  	_ =	shalt  }
0x58: {  	_ =	shalt  }
0x59: {  	_ =	shalt  }
0x5a: {  	_ =	shalt  }
0x5b: {  	_ =	shalt  }
0x5c: {  	_ =	shalt  }
0x5d: {  	_ =	shalt  }
0x5e: {  	_ =	shalt  }
0x5f: {  	_ =	shalt  }
0x60: {  	_ =	shalt  }
0x61: {  	_ =	shalt  }
0x62: {  	_ =	shalt  }
0x63: {  	_ =	shalt  }
0x64: {  	_ =	shalt  }
0x65: {  	_ =	shalt  }
0x66: {  	_ =	shalt  }
0x67: {  	_ =	shalt  }
0x68: {  	_ =	shalt  }
0x69: {  	_ =	shalt  }
0x6a: {  	_ =	shalt  }
0x6b: {  	_ =	shalt  }
0x6c: {  	_ =	shalt  }
0x6d: {  	_ =	shalt  }
0x6e: {  	_ =	shalt  }
0x6f: {  	_ =	shalt  }
0x70: {  	_ =	shalt  }
0x71: {  	_ =	shalt  }
0x72: {  	_ =	shalt  }
0x73: {  	_ =	shalt  }
0x74: {  	_ =	shalt  }
0x75: {  	_ =	shalt  }
0x76: {  	_ =	shalt  }
0x77: {  	_ =	shalt  }
0x78: {  	_ =	shalt  }
0x79: {  	_ =	shalt  }
0x7a: {  	_ =	shalt  }
0x7b: {  	_ =	shalt  }
0x7c: {  	_ =	shalt  }
0x7d: {  	_ =	shalt  }
0x7e: {  	_ =	shalt  }
0x7f: {  	_ =	shalt  }
0x80: {  	_ =	shalt  }
0x81: {  	_ =	shalt  }
0x82: {  	_ =	shalt  }
0x83: {  	_ =	shalt  }
0x84: {  	_ =	shalt  }
0x85: {  	_ =	shalt  }
0x86: {  	_ =	shalt  }
0x87: {  	_ =	shalt  }
.Lfunc_end0:
.L_simem_size_0:
called_computation_lowered:
.L_overlay_start_0:
0x88: {  	s2 =	sld [smem:$0x3FD9]  }
0x89: {  	s3 =	sld [smem:$0x3FFE];
	_ =	sdelay $0x1  }
0x8a: {  	s1 =	srdreg.scid  }
0x8b: {  	s0 =	sand.u32 $0x1, s1  }
0x8c: {  	s14 =	sshll.u32 s0, $0xA;
	s2 =	sadd.s32 s3, s2  }
0x8d: {  	s2 =	sadd.s32 s2, s14  }
0x8e: {  	[smem:$0x3FC5] =	sst s2  }
0x8f: {  	_ = 	snop  }
0x90: {  	s2 =	sld [smem:$0x3FD0];
	_ =	sdelay $0x2  }
0x91: {  	s15 =	simm.s32 $0xA;
	s4 =	simm.s32 $0x10  }
0x92: {  	[smem:s4], [sflag:s15] =	dma.local [hbm:s2], $0x1  }
0x93: {  	_ =	swait.eq [sflag:s15], $0x1  }
0x94: {  	[sflag:s15] =	ssyncset.done $0x0  }
0x95: {  	[sflag:s15] =	ssyncadd.s32 $0xFFFFFFFF  }
0x96: {  	s16 =	sld [smem:$0x10];
	(tm) =	ssettm $0x1  }
0x97: {  	s17 =	sld [smem:$0x3FFB];
	_ =	sdelay $0x3  }
0x98: {  	_ =	strace s17  }
0x99: {  	s3 =	sld [smem:$0x3FFC];
	_ =	sdelay $0x3  }
0x9a: {  	_ =	strace s3  }
0x9b: {  	s3 =	sld [smem:$0x3FFD];
	_ =	sdelay $0x3  }
0x9c: {  	_ =	strace s3  }
0x9d: {  	_ =	strace $0x8FFFFFFF  }
0x9e: {  	s18 =	sld [smem:$0x3FDB];
	_ =	sdelay $0x1  }
0x9f: {  	s19 =	simm.s32 $_scs_section_size  }
0xa0: {  	s5 =	simm.s32 $_size__tile_overlayer_lowered;
	s6 =	simm.s32 $_tile_overlayer_lowered  }
0xa1: {  	s22 =	simm.s32 $0x1BFF;
	s21 =	sshll.u32 s6, $0x1;
	s3 =	sadd.s32 s19, s18  }
0xa2: {  	s7 =	simm.s32 $0x0;
	s20 =	sshll.u32 s5, $0x1;
	s5 =	sadd.s32 s21, s3  }
0xa3: {  	[timem:s7], [sflag:s22] =	dma.local [hbm:s5], s20  }
0xa4: {  	_ =	swait.ge [sflag:s22], s20  }
0xa5: {  	s4 =	ssub.s32 $0x0, s20;
	[sflag:s22] =	ssyncset.done $0x0  }
0xa6: {  	[sflag:s22] =	ssyncadd.s32 s4;
	_ =	sdelay $0x1  }
0xa7: {  	s23 =	simm.s32 $0x1B8B  }
0xa8: {  	_ =	swait.ge [sflag:s23], $0x1  }
0xa9: {  	[sflag:s23] =	ssyncset.done $0x0  }
0xaa: {  	s25 =	simm.s32 $0x1B8E;
	s24 =	sld [smem:$0x3FFE];
	[sflag:s23] =	ssyncadd.s32 $0xFFFFFFFF  }
0xab: {  	s26 =	simm.s32 $execute0_lowered;
	[smem:$0x3FD2] =	sst s25  }
0xac: {  	s5 =	sshll.u32 s26, $0x1;
	_ =	strace $0x80000046;
	[dreg:$0x1] =	wrdreg $0xFFFFFFFF  }
0xad: {  	s28 =	simm.s32 $_size_execute0_lowered;
	s3 =	sadd.s32 s3, s5;
	[dreg:$0x0] =	wrdreg $0x0  }
0xae: {  	s5 =	sshll.u32 s28, $0x1;
	[dreg:$0x2] =	wrdreg s3  }
0xaf: {  	[dreg:$0x3] =	wrdreg s5  }
0xb0: {  	[dreg:$0x4] =	wrdreg $0xC0  }
0xb1: {  	_ =	task [dreg:s7], $0x5FFFF  }
0xb2: {  	[dreg:$0x1] =	wrdreg $0xFFFFFFFF  }
0xb3: {  	[dreg:$0x0] =	wrdreg $0x60  }
0xb4: {  	[dreg:$0x2] =	wrdreg s24  }
0xb5: {  	[dreg:$0x3] =	wrdreg s16  }
0xb6: {  	[dreg:$0x4] =	wrdreg $0x9  }
0xb7: {  	_ =	task.clear_ibuf [dreg:s7], $0x5FFFF;
	_ =	strace $0x90000046  }
0xb8: {  	s29 =	simm.s32 $0x9;
	_ =	strace $0x80000048  }
0xb9: {  	_ =	swait.ge [sflag:s29], $0x1  }
0xba: {  	[sflag:s29] =	ssyncadd.s32 $0xFFFFFFFF  }
0xbb: {  	_ =	strace $0x90000048  }
0xbc: {  	_ =	sfence  }
0xbd: {  	s30 =	sld [smem:$0x0];
	_ =	sdelay $0x2  }
0xbe: {  	s31 =	sshll.u32 s1, $0xD;
	s1 =	sshrl.u32 s1, $0x2  }
0xbf: {  	s3 =	sand.u32 $0x4000, s31;
	s1 =	sadd.s32 s1, s30  }
0xc0: {  	s0 =	sor.u32 s3, s0;
	s1 =	sshll.u32 s1, $0x11  }
0xc1: {  	s0 =	sor.u32 s1, s0  }
0xc2: {  	s0 =	sadd.s32 $0x8F2B, s0  }
0xc3: {  	[sflag:s0] =	ssyncadd.remote.s32 $0x1  }
0xc4: {  	_ =	sfence.sel $0xFFFF  }
0xc5: {  	[dreg:$0x0] =	wrdreg $0xFFFFFFFF;
	(pc) =	sbr.abs _section_cstart, $3  }
0xc6: {  	[dreg:$0x1] =	wrdreg $0xFFFFFFFF  }
0xc7: {  	_ =	task.clear_ibuf [dreg:s7], $0x2FFFF;
	_ =	strace $0x9FFFFFFF  }
0xc8: {  	(tm) =	ssettm $0x7FFFFFFF  }
0xc9: {  	_ =	shalt  }
tec
execute0_lowered:
.L_overlay_start_1:
0x0: {  	(tag) =	ssettag $0x1  }
0x1: {  	s4 =	rddreg [dreg:$0x0]  }
0x2: {  	s1 =	rddreg [dreg:$0x1];
	s2 =	srdreg.scid  }
0x3: {  	s0 =	rddreg [dreg:$0x2];
	s3 =	simm.s32 $0x0;
	s9 =	simm.s32 $0x1  }
0x4: {  	s10 =	simm.s32 $0x2;
	s11 =	simm.s32 $0x0;
	s5 =	sand.u32 $0x1, s2  }
0x5: {  	[smem:$0x7FF] =	sst s3;
	s2 =	stileid.u32;
	s6 =	sshll.u32 s5, $0x9  }
0x6: {  	s5 =	ssub.s32 $0x2, s5;
	s7 =	sshll.u32 s2, $0xA;
	_ =	strace $0x80000047  }
0x7: {  	s6 =	sadd.s32 s6, s4;
	s8 =	sshrl.u32 s5, $0x1;
	s4 =	sadd.s32 $0xA00, s4  }
0x8: {  	s6 =	sadd.s32 s7, s6;
	s31 =	ssub.s32 s5, s8;
	s7 =	simm.s32 $0x3  }
0x9: {  	s8 =	simm.s32 $0x80;
	s5 =	sadd.s32 $0x3C00, s6;
	s6 =	smax.u32 s31, $0x1  }
.LBB2_1:
0xa: {  	[tilespmem:s3], [sflag:$0x3] =	stream.linear.gather [hbm4b:s5+s3], $0xC80, $0x38;
	[tilespmem:$0x2000] =	vst v63  }
0xb: {  	_ =	swait.ge [sflag:s7], $0xC80  }
0xc: {  	[sflag:s7] =	ssyncset.done $0x0  }
0xd: {  	s12 =	simm.s32 $0x0;
	s13 =	simm.s32 $0x1000;
	[sflag:s7] =	ssyncadd.s32 $0xFFFFF380  }
0xe: {  	[tilespmem:s13], [sflag:$0x1] =	stream.indirect.gather [hbm4b:s4+s8], $0x1, s12, s8, $0xb8;
	[tilespmem:$0x2000] =	vst v63  }
0xf: {  	_ =	swait.ge [sflag:s9], $0x80  }
0x10: {  	[sflag:s9] =	ssyncset.done $0x0  }
0x11: {  	[sflag:s9] =	ssyncadd.s32 $0xFFFFFF80  }
0x12: {  	[hbm4b:s1+s8] =	stream.indirect.scatter [tilespmem:s13], [sflag:$0x2], $0x1, s12, s8, $0xb8;
	[tilespmem:$0x2000] =	vst v63  }
0x13: {  	_ =	swait.ge [sflag:s10], $0x80  }
0x14: {  	s13 =	simm.s32 $0x400;
	s12 =	simm.s32 $0x80;
	[sflag:s10] =	ssyncset.done $0x0  }
.LBB2_2:
0x15: {  	s14 =	sadd.s32 $0x1000, s12  }
0x16: {  	[sflag:s10] =	ssyncadd.s32 $0xFFFFFF80;
	s15 =	smov.u32 s13;
	s16 =	sadd.s32 $0x200, s13  }
0x17: {  	[tilespmem:s14], [sflag:$0x1] =	stream.indirect.gather [hbm4b:s4+s8], $0x1, s12, s8, $0xb8;
	[tilespmem:$0x2000] =	vst v63  }
0x18: {  	p0 =	sne.s32 s13, $0x3000;
	_ =	swait.ge [sflag:s9], $0x80  }
.Ltmp0:
0x19: {  	[sflag:s9] =	ssyncset.done $0x0;
	(pc) =	sbr.rel @p0 .LBB2_2-.Ltmp0, $4  }
0x1a: {  	[sflag:s9] =	ssyncadd.s32 $0xFFFFFF80  }
0x1b: {  	[hbm4b:s1+s8] =	stream.indirect.scatter [tilespmem:s14], [sflag:$0x2], $0x1, s12, s8, $0xb8;
	[tilespmem:$0x2000] =	vst v63  }
0x1c: {  	_ =	swait.ge [sflag:s10], $0x80  }
0x1d: {  	s13 =	smov.u32 s16;
	s12 =	sshra.s32 s15, $0x2;
	[sflag:s10] =	ssyncset.done $0x0  }
0x1e: {  	s13 =	sadd.s32 $0x1000, s12;
	[sflag:s10] =	ssyncadd.s32 $0xFFFFFF80  }
0x1f: {  	[tilespmem:s13], [sflag:$0x1] =	stream.indirect.gather [hbm4b:s4+s8], $0x1, s12, s8, $0xb8;
	[tilespmem:$0x2000] =	vst v63  }
0x20: {  	s11 =	sadd.s32 $0x1, s11;
	_ =	swait.ge [sflag:s9], $0x80  }
0x21: {  	p0 =	sne.s32 s11, s6;
	[sflag:s9] =	ssyncset.done $0x0  }
.Ltmp1:
0x22: {  	[sflag:s9] =	ssyncadd.s32 $0xFFFFFF80;
	(pc) =	sbr.rel @p0 .LBB2_1-.Ltmp1, $4  }
0x23: {  	[hbm4b:s1+s8] =	stream.indirect.scatter [tilespmem:s13], [sflag:$0x2], $0x1, s12, s8, $0xb8;
	[tilespmem:$0x2000] =	vst v63  }
0x24: {  	_ =	swait.ge [sflag:s10], $0x80  }
0x25: {  	[sflag:s10] =	ssyncset.done $0x0  }
0x26: {  	[sflag:s10] =	ssyncadd.s32 $0xFFFFFF80  }
0x27: {  	_ =	sfence.sel $0x180000  }
0x28: {  	[bflag:$0x0] =	sbarrier.arrive $0xFFFF  }
0x29: {  	p0 =	sne.s32 s2, $0x0;
	_ =	strace $0x90000047  }
0x2a: {  	s0 =	sadd.s32 @!p0 $0x100000, s0;
	[bflag:$0x2] =	sbarrier.arrive $0xFFFF  }
0x2b: {  	[sflag:s0] =	ssyncadd.tile.s32 @!p0 $0x1;
	_ =	shalt  }
.Lfunc_end2:
_tile_overlayer_lowered:
.L_overlay_start_2:
0x2c: {  	(tag) =	ssettag $0x2  }
0x2d: {  	s0 =	rddreg [dreg:$0x0];
	s2 =	stileid.u32  }
0x2e: {  	s1 =	rddreg [dreg:$0x1];
	p0 =	sne.s32 s2, $0x0  }
0x2f: {  	s3 =	rddreg [dreg:$0x2];
	[bflag:$0x3] =	sbarrier.arrive $0xFFFF;
	s2 =	simm.s32 @!p0 $0x1C03  }
0x30: {  	[timem:s3], [sflag:s2] =	dma.local @!p0 [hbm:s0], s1  }
0x31: {  	s0 =	simm.s32 @!p0 $0x3  }
0x32: {  	_ =	swait.ge @!p0 [sflag:s0], s1  }
0x33: {  	s1 =	ssub.s32 @!p0 $0x0, s1;
	[sflag:s0] =	ssyncset.done @!p0 $0x0  }
0x34: {  	[sflag:s0] =	ssyncadd.s32 @!p0 s1  }
0x35: {  	[bflag:$0x3] =	sbarrier.arrive $0xFFFF  }
0x36: {  	_ =	shalt  }

</sc_bundles>
